<compile_context>
chip_gen: v7x
topology: tpu7x:2x2x1
jax: 0.10.2.dev20260603
libtpu: 0.0.44.dev20260713+nightly
codegen_flags: <defaults>
</compile_context>

<pallas_src>
import functools

import jax
import jax.numpy as jnp
from jax import lax
from jax.experimental import pallas as pl
from jax.experimental.pallas import tpu as pltpu
from jax.experimental.pallas import tpu_sc as plsc

B = 4096
D = 13
F = 26
V = 100000
E = 32
H1, H2, H3 = 1024, 512, 256

NC = 2
NS = 16
NW = NC * NS

PAIRS = F * E
PPW = PAIRS // NW
L = 16

_mesh = plsc.VectorSubcoreMesh(core_axis_name="c", subcore_axis_name="s")


@functools.partial(
    pl.kernel,
    mesh=_mesh,
    compiler_params=pltpu.CompilerParams(use_tc_tiling_on_sc=True,
                                         needs_layout_passes=False),
    out_type=[
        jax.ShapeDtypeStruct((PAIRS, B), jnp.float32),
        jax.ShapeDtypeStruct((F, B), jnp.float32),
    ],
    scratch_types=[
        pltpu.VMEM((V,), jnp.float32),
        pltpu.VMEM((B,), jnp.int32),
        pltpu.VMEM((B,), jnp.float32),
    ],
)
def _sc_scan_gather(dnn_tab_t, dnn_idx_t, lin_tab_t, lin_idx_t, xs_t, lg_t,
                    vocab_v, idx_v, out_v):
    wid = lax.axis_index("s") * NC + lax.axis_index("c")

    def gather_batch():
        @pl.loop(0, B // L, step=4)
        def _(i):
            for j in range(4):
                ii = (i + j) * L
                out_v[pl.ds(ii, L)] = plsc.load_gather(
                    vocab_v, [idx_v[pl.ds(ii, L)]])

    @pl.loop(0, PPW)
    def _(k):
        q = wid * PPW + k
        f = q // E
        c = q % E
        pltpu.sync_copy(dnn_idx_t.at[f], idx_v)
        pltpu.sync_copy(dnn_tab_t.at[f, c], vocab_v)
        gather_batch()
        pltpu.sync_copy(out_v, xs_t.at[q])

    @pl.when(wid < F)
    def _():
        pltpu.sync_copy(lin_idx_t.at[wid], idx_v)
        pltpu.sync_copy(lin_tab_t.at[wid, 0], vocab_v)
        gather_batch()
        pltpu.sync_copy(out_v, lg_t.at[wid])


BT = 512


def _mlp_body(xd_ref, xst_ref, ld_ref, lgt_ref, w1a_ref, w1b_ref, b1_ref,
              w2_ref, b2_ref, w3_ref, b3_ref, w4_ref, b4_ref, wd_ref,
              bd_ref, out_ref):
    bf = jnp.bfloat16
    h = jnp.dot(xd_ref[...], w1a_ref[...], preferred_element_type=jnp.float32)
    h = h + lax.dot_general(xst_ref[...].astype(bf), w1b_ref[...].astype(bf),
                            (((0,), (0,)), ((), ())),
                            preferred_element_type=jnp.float32)
    h = jnp.maximum(h + b1_ref[...], 0.0)
    h = jnp.maximum(
        jnp.dot(h.astype(bf), w2_ref[...].astype(bf),
                preferred_element_type=jnp.float32) + b2_ref[...], 0.0)
    h = jnp.maximum(
        jnp.dot(h.astype(bf), w3_ref[...].astype(bf),
                preferred_element_type=jnp.float32) + b3_ref[...], 0.0)
    dnn = lax.dot_general(w4_ref[...], h, (((0,), (1,)), ((), ())),
                          preferred_element_type=jnp.float32)
    lin = lax.dot_general(wd_ref[...], ld_ref[...], (((0,), (1,)), ((), ())),
                          preferred_element_type=jnp.float32)
    ssum = jnp.sum(lgt_ref[...], axis=0, keepdims=True)
    out_ref[...] = jax.nn.sigmoid(dnn + b4_ref[...] + lin + bd_ref[...] + ssum)


def _full(shape):
    return pl.BlockSpec(shape, lambda i: (0, 0))


_mlp = pl.pallas_call(
    _mlp_body,
    grid=(B // BT,),
    in_specs=[
        pl.BlockSpec((BT, D), lambda i: (i, 0)),
        pl.BlockSpec((PAIRS, BT), lambda i: (0, i)),
        pl.BlockSpec((BT, D), lambda i: (i, 0)),
        pl.BlockSpec((F, BT), lambda i: (0, i)),
        _full((D, H1)),
        _full((PAIRS, H1)),
        _full((1, H1)),
        _full((H1, H2)),
        _full((1, H2)),
        _full((H2, H3)),
        _full((1, H3)),
        _full((H3, 1)),
        _full((1, 1)),
        _full((D, 1)),
        _full((1, 1)),
    ],
    out_specs=pl.BlockSpec((1, BT), lambda i: (0, i)),
    out_shape=jax.ShapeDtypeStruct((1, B), jnp.float32),
)


@jax.jit
def kernel(linear_dense_data, linear_sparse_data, dnn_dense_data,
           dnn_sparse_data, lin_emb, dnn_emb, Wd, bd, W1, b1, W2, b2, W3, b3,
           W4, b4):
    dnn_tab_t = jnp.transpose(dnn_emb, (0, 2, 1))
    lin_tab_t = jnp.transpose(lin_emb, (0, 2, 1))
    dnn_idx_t = dnn_sparse_data.astype(jnp.int32).T
    lin_idx_t = linear_sparse_data.astype(jnp.int32).T

    xs_t, lg_t = _sc_scan_gather(dnn_tab_t, dnn_idx_t, lin_tab_t, lin_idx_t)

    out = _mlp(dnn_dense_data, xs_t, linear_dense_data, lg_t,
               W1[:D], W1[D:], b1.reshape(1, H1),
               W2, b2.reshape(1, H2),
               W3, b3.reshape(1, H3),
               W4, b4.reshape(1, 1),
               Wd, bd.reshape(1, 1))
    return out.reshape(B, 1)

# --- scband reference (transcript-rebuilt; emitter-appended) ---
"""Pipeline reference for scband-wide-and-deep-1975684956768 (READ-ONLY COPY).

The authoritative reference and input builder live on the scoring server;
editing this copy changes nothing except your own understanding.
"""

import jax, jax.numpy as jnp
import numpy as np

B = 4096
D = 13
F = 26
V = 100000
E = 32
DNN_IN = D + F * E  # 845
H1, H2, H3 = 1024, 512, 256


def setup_inputs(seed: int = 0) -> dict:
    key = jax.random.key(seed)
    ks = jax.random.split(key, 18)
    inp = {}
    inp["linear_dense_data"] = jax.random.normal(ks[0], (B, D), dtype=jnp.float32)
    inp["linear_sparse_data"] = jax.random.randint(ks[1], (B, F), 0, V)
    inp["dnn_dense_data"] = jax.random.normal(ks[2], (B, D), dtype=jnp.float32)
    inp["dnn_sparse_data"] = jax.random.randint(ks[3], (B, F), 0, V)
    # learned parameters
    inp["lin_emb"] = jax.random.normal(ks[4], (F, V, 1), dtype=jnp.float32) * 0.01
    inp["dnn_emb"] = jax.random.normal(ks[5], (F, V, E), dtype=jnp.float32) * 0.01
    inp["Wd"] = jax.random.normal(ks[6], (D, 1), dtype=jnp.float32) * (1.0 / np.sqrt(D))
    inp["bd"] = jnp.zeros((1,), dtype=jnp.float32)
    inp["W1"] = jax.random.normal(ks[7], (DNN_IN, H1), dtype=jnp.float32) * (1.0 / np.sqrt(DNN_IN))
    inp["b1"] = jnp.zeros((H1,), dtype=jnp.float32)
    inp["W2"] = jax.random.normal(ks[8], (H1, H2), dtype=jnp.float32) * (1.0 / np.sqrt(H1))
    inp["b2"] = jnp.zeros((H2,), dtype=jnp.float32)
    inp["W3"] = jax.random.normal(ks[9], (H2, H3), dtype=jnp.float32) * (1.0 / np.sqrt(H2))
    inp["b3"] = jnp.zeros((H3,), dtype=jnp.float32)
    inp["W4"] = jax.random.normal(ks[10], (H3, 1), dtype=jnp.float32) * (1.0 / np.sqrt(H3))
    inp["b4"] = jnp.zeros((1,), dtype=jnp.float32)
    return inp


def reference(linear_dense_data, linear_sparse_data, dnn_dense_data, dnn_sparse_data,
              lin_emb, dnn_emb, Wd, bd, W1, b1, W2, b2, W3, b3, W4, b4):
    fields = jnp.arange(F)
    # wide part: per-field embedding lookup (embed_dim=1), concat along dim=1
    lin_vecs = lin_emb[fields[None, :], linear_sparse_data]  # [B, F, 1]
    linear_sparse = lin_vecs.reshape(linear_sparse_data.shape[0], -1)  # [B, F]
    linear_sparse_logits = jnp.sum(linear_sparse, axis=1)  # [B]
    linear_dense_logits = linear_dense_data @ Wd + bd  # [B, 1]
    linear_logit = linear_dense_logits[:, 0] + linear_sparse_logits  # [B]
    # deep part
    dnn_vecs = dnn_emb[fields[None, :], dnn_sparse_data]  # [B, F, E]
    dnn_sparse = dnn_vecs.reshape(dnn_sparse_data.shape[0], -1)  # [B, F*E]
    dnn_input = jnp.concatenate([dnn_dense_data, dnn_sparse], axis=1)  # [B, DNN_IN]
    h = jax.nn.relu(dnn_input @ W1 + b1)
    h = jax.nn.relu(h @ W2 + b2)
    h = jax.nn.relu(h @ W3 + b3)
    dnn_logit = h @ W4 + b4  # [B, 1]
    output_logit = linear_logit[:, None] + dnn_logit  # [B, 1]
    return jax.nn.sigmoid(output_logit)

if __name__ == "__main__":
    import jax
    _d = setup_inputs()
    print(jax.jit(kernel)(*tuple(_d.values())))

</pallas_src>

<mosaic_0001>
#map = affine_map<(d0, d1) -> (0, 0, 0)>
#map1 = affine_map<(d0, d1) -> (0, 0)>
module attributes {stable_mosaic.version = 14 : i64} {
  func.func @_sc_scan_gather(%arg0: i32, %arg1: i32, %arg2: memref<26x32x100000xf32, #tpu.memory_space<hbm>>, %arg3: memref<26x4096xi32, #tpu.memory_space<hbm>>, %arg4: memref<26x1x100000xf32, #tpu.memory_space<hbm>>, %arg5: memref<26x4096xi32, #tpu.memory_space<hbm>>, %arg6: memref<832x4096xf32, #tpu.memory_space<hbm>>, %arg7: memref<26x4096xf32, #tpu.memory_space<hbm>>, %arg8: memref<100000xf32, #tpu.memory_space<vmem>>, %arg9: memref<4096xi32, #tpu.memory_space<vmem>>, %arg10: memref<4096xf32, #tpu.memory_space<vmem>>) attributes {dimension_semantics = [#tpu.dimension_semantics<core_parallel>, #tpu.dimension_semantics<subcore_parallel>], iteration_bounds = array<i64: 2, 16>, scalar_prefetch = 0 : i64, scratch_operands = 3 : i64, tpu.core_type = #tpu.core_type<sc_vector_subcore>, window_params = [{transform_indices = #map}, {transform_indices = #map1}, {transform_indices = #map}, {transform_indices = #map1}, {transform_indices = #map1}, {transform_indices = #map1}]} {
    %mul3A = arith.constant 2 : i32
    %mul3A_0 = arith.muli %arg1, %mul3A : i32
    %add3A = arith.addi %mul3A_0, %arg0 : i32
    %scan3A = arith.constant 0 : i32
    %scan3A_1 = arith.constant 26 : i32
    %scan3A_2 = arith.addi %scan3A, %scan3A_1 : i32
    %scan3A_3 = arith.constant 1 : i32
    scf.for %scan3A_7 = %scan3A to %scan3A_2 step %scan3A_3  : i32 {
      %mul3A_8 = arith.constant 1 : i32
      %mul3A_9 = arith.muli %scan3A_7, %mul3A_8 : i32
      %add3A_10 = arith.constant 0 : i32
      %add3A_11 = arith.addi %add3A_10, %mul3A_9 : i32
      %mul3A_12 = arith.constant 26 : i32
      %mul3A_13 = arith.muli %add3A, %mul3A_12 : i32
      %add3A_14 = arith.addi %mul3A_13, %add3A_11 : i32
      %jit3A = arith.constant 32 : i32
      %div3A = arith.divsi %add3A_14, %jit3A : i32
      %sign3A = arith.constant 0 : i32
      %sign3A_15 = arith.cmpi sgt, %add3A_14, %sign3A : i32
      %sign3A_16 = arith.extui %sign3A_15 : i1 to i32
      %sign3A_17 = arith.constant 0 : i32
      %sign3A_18 = arith.cmpi slt, %add3A_14, %sign3A_17 : i32
      %sign3A_19 = arith.extui %sign3A_18 : i1 to i32
      %sign3A_20 = arith.subi %sign3A_16, %sign3A_19 : i32
      %sign3A_21 = arith.constant 0 : i32
      %sign3A_22 = arith.cmpi sgt, %jit3A, %sign3A_21 : i32
      %sign3A_23 = arith.extui %sign3A_22 : i1 to i32
      %sign3A_24 = arith.constant 0 : i32
      %sign3A_25 = arith.cmpi slt, %jit3A, %sign3A_24 : i32
      %sign3A_26 = arith.extui %sign3A_25 : i1 to i32
      %sign3A_27 = arith.subi %sign3A_23, %sign3A_26 : i32
      %ne3A = arith.cmpi ne, %sign3A_20, %sign3A_27 : i32
      %rem3A = arith.remsi %add3A_14, %jit3A : i32
      %ne3A_28 = arith.constant 0 : i32
      %ne3A_29 = arith.cmpi ne, %rem3A, %ne3A_28 : i32
      %and3A = arith.andi %ne3A, %ne3A_29 : i1
      %sub3A = arith.constant 1 : i32
      %sub3A_30 = arith.subi %div3A, %sub3A : i32
      %select_n3A = arith.select %and3A, %sub3A_30, %div3A : i32
      %jit3A_31 = arith.constant 32 : i32
      %eq3A = arith.constant 0 : i32
      %eq3A_32 = arith.cmpi eq, %jit3A_31, %eq3A : i32
      %jit3A_33 = arith.constant 1 : i32
      %select_n3A_34 = arith.select %eq3A_32, %jit3A_33, %jit3A_31 : i32
      %rem3A_35 = arith.remsi %add3A_14, %select_n3A_34 : i32
      %ne3A_36 = arith.constant 0 : i32
      %ne3A_37 = arith.cmpi ne, %rem3A_35, %ne3A_36 : i32
      %lt3A_38 = arith.constant 0 : i32
      %lt3A_39 = arith.cmpi slt, %rem3A_35, %lt3A_38 : i32
      %lt3A_40 = arith.constant 0 : i32
      %lt3A_41 = arith.cmpi slt, %select_n3A_34, %lt3A_40 : i32
      %ne3A_42 = arith.xori %lt3A_39, %lt3A_41 : i1
      %and3A_43 = arith.andi %ne3A_42, %ne3A_37 : i1
      %add3A_44 = arith.addi %rem3A_35, %select_n3A_34 : i32
      %select_n3A_45 = arith.select %and3A_43, %add3A_44, %rem3A_35 : i32
      "tpu.region"() ({
        %run_scoped3A = tpu.sem_alloc : memref<!tpu.dma_semaphore, #tpu.memory_space<semaphore_mem>>
        %dma_start3A = arith.constant 0 : i32
        %dma_start3A_51 = tpu.memref_slice %arg3[%select_n3A, %dma_start3A] : memref<26x4096xi32, #tpu.memory_space<hbm>> -> memref<1x4096xi32, #tpu.memory_space<hbm>>
        %dma_start3A_52 = tpu.memref_squeeze %dma_start3A_51 : memref<1x4096xi32, #tpu.memory_space<hbm>> -> memref<4096xi32, #tpu.memory_space<hbm>>
        %dma_start3A_53 = arith.constant 0 : i32
        %dma_start3A_54 = tpu.memref_slice %arg3[%select_n3A, %dma_start3A_53] : memref<26x4096xi32, #tpu.memory_space<hbm>> -> memref<1x4096xi32, #tpu.memory_space<hbm>>
        %dma_start3A_55 = tpu.memref_squeeze %dma_start3A_54 : memref<1x4096xi32, #tpu.memory_space<hbm>> -> memref<4096xi32, #tpu.memory_space<hbm>>
        tpu.enqueue_dma source(%dma_start3A_55 : memref<4096xi32, #tpu.memory_space<hbm>>) target(%arg9 : memref<4096xi32, #tpu.memory_space<vmem>>) target_semaphore(%run_scoped3A : memref<!tpu.dma_semaphore, #tpu.memory_space<semaphore_mem>>)
        %dma_wait3A = arith.constant 0 : i32
        %dma_wait3A_56 = tpu.memref_slice %arg3[%select_n3A, %dma_wait3A] : memref<26x4096xi32, #tpu.memory_space<hbm>> -> memref<1x4096xi32, #tpu.memory_space<hbm>>
        %dma_wait3A_57 = tpu.memref_squeeze %dma_wait3A_56 : memref<1x4096xi32, #tpu.memory_space<hbm>> -> memref<4096xi32, #tpu.memory_space<hbm>>
        %dma_wait3A_58 = arith.constant 0 : i32
        %dma_wait3A_59 = tpu.memref_slice %arg3[%select_n3A, %dma_wait3A_58] : memref<26x4096xi32, #tpu.memory_space<hbm>> -> memref<1x4096xi32, #tpu.memory_space<hbm>>
        %dma_wait3A_60 = tpu.memref_squeeze %dma_wait3A_59 : memref<1x4096xi32, #tpu.memory_space<hbm>> -> memref<4096xi32, #tpu.memory_space<hbm>>
        tpu.wait_dma2 semaphore(%run_scoped3A : memref<!tpu.dma_semaphore, #tpu.memory_space<semaphore_mem>>) src(%dma_wait3A_60 : memref<4096xi32, #tpu.memory_space<hbm>>) dst(%arg9 : memref<4096xi32, #tpu.memory_space<vmem>>)
        tpu.yield
      }) : () -> ()
      "tpu.region"() ({
        %run_scoped3A = tpu.sem_alloc : memref<!tpu.dma_semaphore, #tpu.memory_space<semaphore_mem>>
        %dma_start3A = arith.constant 0 : i32
        %dma_start3A_51 = tpu.memref_slice %arg2[%select_n3A, %select_n3A_45, %dma_start3A] : memref<26x32x100000xf32, #tpu.memory_space<hbm>> -> memref<1x1x100000xf32, #tpu.memory_space<hbm>>
        %dma_start3A_52 = tpu.memref_squeeze %dma_start3A_51 : memref<1x1x100000xf32, #tpu.memory_space<hbm>> -> memref<100000xf32, #tpu.memory_space<hbm>>
        %dma_start3A_53 = arith.constant 0 : i32
        %dma_start3A_54 = tpu.memref_slice %arg2[%select_n3A, %select_n3A_45, %dma_start3A_53] : memref<26x32x100000xf32, #tpu.memory_space<hbm>> -> memref<1x1x100000xf32, #tpu.memory_space<hbm>>
        %dma_start3A_55 = tpu.memref_squeeze %dma_start3A_54 : memref<1x1x100000xf32, #tpu.memory_space<hbm>> -> memref<100000xf32, #tpu.memory_space<hbm>>
        tpu.enqueue_dma source(%dma_start3A_55 : memref<100000xf32, #tpu.memory_space<hbm>>) target(%arg8 : memref<100000xf32, #tpu.memory_space<vmem>>) target_semaphore(%run_scoped3A : memref<!tpu.dma_semaphore, #tpu.memory_space<semaphore_mem>>)
        %dma_wait3A = arith.constant 0 : i32
        %dma_wait3A_56 = tpu.memref_slice %arg2[%select_n3A, %select_n3A_45, %dma_wait3A] : memref<26x32x100000xf32, #tpu.memory_space<hbm>> -> memref<1x1x100000xf32, #tpu.memory_space<hbm>>
        %dma_wait3A_57 = tpu.memref_squeeze %dma_wait3A_56 : memref<1x1x100000xf32, #tpu.memory_space<hbm>> -> memref<100000xf32, #tpu.memory_space<hbm>>
        %dma_wait3A_58 = arith.constant 0 : i32
        %dma_wait3A_59 = tpu.memref_slice %arg2[%select_n3A, %select_n3A_45, %dma_wait3A_58] : memref<26x32x100000xf32, #tpu.memory_space<hbm>> -> memref<1x1x100000xf32, #tpu.memory_space<hbm>>
        %dma_wait3A_60 = tpu.memref_squeeze %dma_wait3A_59 : memref<1x1x100000xf32, #tpu.memory_space<hbm>> -> memref<100000xf32, #tpu.memory_space<hbm>>
        tpu.wait_dma2 semaphore(%run_scoped3A : memref<!tpu.dma_semaphore, #tpu.memory_space<semaphore_mem>>) src(%dma_wait3A_60 : memref<100000xf32, #tpu.memory_space<hbm>>) dst(%arg8 : memref<100000xf32, #tpu.memory_space<vmem>>)
        tpu.yield
      }) : () -> ()
      %scan3A_46 = arith.constant 0 : i32
      %scan3A_47 = arith.constant 64 : i32
      %scan3A_48 = arith.addi %scan3A_46, %scan3A_47 : i32
      %scan3A_49 = arith.constant 1 : i32
      scf.for %scan3A_51 = %scan3A_46 to %scan3A_48 step %scan3A_49  : i32 {
        %mul3A_52 = arith.constant 4 : i32
        %mul3A_53 = arith.muli %scan3A_51, %mul3A_52 : i32
        %add3A_54 = arith.constant 0 : i32
        %add3A_55 = arith.addi %add3A_54, %mul3A_53 : i32
        %add3A_56 = arith.constant 0 : i32
        %add3A_57 = arith.addi %add3A_55, %add3A_56 : i32
        %mul3A_58 = arith.constant 16 : i32
        %mul3A_59 = arith.muli %add3A_57, %mul3A_58 : i32
        %get3A = arith.index_cast %mul3A_59 : i32 to index
        %get3A_60 = tpu.vector_load %arg9[%get3A] {strides = array<i32>} : memref<4096xi32, #tpu.memory_space<vmem>>, vector<16xi32>,
        %gather3A = tpu.vector_load_idx %arg8[%get3A_60] : memref<100000xf32, #tpu.memory_space<vmem>>[vector<16xi32>], vector<16xf32>,
        %swap3A = arith.index_cast %mul3A_59 : i32 to index
        %swap3A_61 = tpu.vector_load %arg10[%swap3A] {strides = array<i32>} : memref<4096xf32, #tpu.memory_space<vmem>>, vector<16xf32>,
        tpu.vector_store %arg10[%swap3A], %gather3A {strides = array<i32>} : memref<4096xf32, #tpu.memory_space<vmem>>, vector<16xf32>,
        %add3A_62 = arith.constant 1 : i32
        %add3A_63 = arith.addi %add3A_55, %add3A_62 : i32
        %mul3A_64 = arith.constant 16 : i32
        %mul3A_65 = arith.muli %add3A_63, %mul3A_64 : i32
        %get3A_66 = arith.index_cast %mul3A_65 : i32 to index
        %get3A_67 = tpu.vector_load %arg9[%get3A_66] {strides = array<i32>} : memref<4096xi32, #tpu.memory_space<vmem>>, vector<16xi32>,
        %gather3A_68 = tpu.vector_load_idx %arg8[%get3A_67] : memref<100000xf32, #tpu.memory_space<vmem>>[vector<16xi32>], vector<16xf32>,
        %swap3A_69 = arith.index_cast %mul3A_65 : i32 to index
        %swap3A_70 = tpu.vector_load %arg10[%swap3A_69] {strides = array<i32>} : memref<4096xf32, #tpu.memory_space<vmem>>, vector<16xf32>,
        tpu.vector_store %arg10[%swap3A_69], %gather3A_68 {strides = array<i32>} : memref<4096xf32, #tpu.memory_space<vmem>>, vector<16xf32>,
        %add3A_71 = arith.constant 2 : i32
        %add3A_72 = arith.addi %add3A_55, %add3A_71 : i32
        %mul3A_73 = arith.constant 16 : i32
        %mul3A_74 = arith.muli %add3A_72, %mul3A_73 : i32
        %get3A_75 = arith.index_cast %mul3A_74 : i32 to index
        %get3A_76 = tpu.vector_load %arg9[%get3A_75] {strides = array<i32>} : memref<4096xi32, #tpu.memory_space<vmem>>, vector<16xi32>,
        %gather3A_77 = tpu.vector_load_idx %arg8[%get3A_76] : memref<100000xf32, #tpu.memory_space<vmem>>[vector<16xi32>], vector<16xf32>,
        %swap3A_78 = arith.index_cast %mul3A_74 : i32 to index
        %swap3A_79 = tpu.vector_load %arg10[%swap3A_78] {strides = array<i32>} : memref<4096xf32, #tpu.memory_space<vmem>>, vector<16xf32>,
        tpu.vector_store %arg10[%swap3A_78], %gather3A_77 {strides = array<i32>} : memref<4096xf32, #tpu.memory_space<vmem>>, vector<16xf32>,
        %add3A_80 = arith.constant 3 : i32
        %add3A_81 = arith.addi %add3A_55, %add3A_80 : i32
        %mul3A_82 = arith.constant 16 : i32
        %mul3A_83 = arith.muli %add3A_81, %mul3A_82 : i32
        %get3A_84 = arith.index_cast %mul3A_83 : i32 to index
        %get3A_85 = tpu.vector_load %arg9[%get3A_84] {strides = array<i32>} : memref<4096xi32, #tpu.memory_space<vmem>>, vector<16xi32>,
        %gather3A_86 = tpu.vector_load_idx %arg8[%get3A_85] : memref<100000xf32, #tpu.memory_space<vmem>>[vector<16xi32>], vector<16xf32>,
        %swap3A_87 = arith.index_cast %mul3A_83 : i32 to index
        %swap3A_88 = tpu.vector_load %arg10[%swap3A_87] {strides = array<i32>} : memref<4096xf32, #tpu.memory_space<vmem>>, vector<16xf32>,
        tpu.vector_store %arg10[%swap3A_87], %gather3A_86 {strides = array<i32>} : memref<4096xf32, #tpu.memory_space<vmem>>, vector<16xf32>,
      }
      %scan3A_50 = arith.constant 64 : i32
      "tpu.region"() ({
        %run_scoped3A = tpu.sem_alloc : memref<!tpu.dma_semaphore, #tpu.memory_space<semaphore_mem>>
        %dma_start3A = arith.constant 0 : i32
        %dma_start3A_51 = tpu.memref_slice %arg6[%add3A_14, %dma_start3A] : memref<832x4096xf32, #tpu.memory_space<hbm>> -> memref<1x4096xf32, #tpu.memory_space<hbm>>
        %dma_start3A_52 = tpu.memref_squeeze %dma_start3A_51 : memref<1x4096xf32, #tpu.memory_space<hbm>> -> memref<4096xf32, #tpu.memory_space<hbm>>
        %dma_start3A_53 = arith.constant 0 : i32
        %dma_start3A_54 = tpu.memref_slice %arg6[%add3A_14, %dma_start3A_53] : memref<832x4096xf32, #tpu.memory_space<hbm>> -> memref<1x4096xf32, #tpu.memory_space<hbm>>
        %dma_start3A_55 = tpu.memref_squeeze %dma_start3A_54 : memref<1x4096xf32, #tpu.memory_space<hbm>> -> memref<4096xf32, #tpu.memory_space<hbm>>
        tpu.enqueue_dma source(%arg10 : memref<4096xf32, #tpu.memory_space<vmem>>) target(%dma_start3A_55 : memref<4096xf32, #tpu.memory_space<hbm>>) target_semaphore(%run_scoped3A : memref<!tpu.dma_semaphore, #tpu.memory_space<semaphore_mem>>)
        %dma_wait3A = arith.constant 0 : i32
        %dma_wait3A_56 = tpu.memref_slice %arg6[%add3A_14, %dma_wait3A] : memref<832x4096xf32, #tpu.memory_space<hbm>> -> memref<1x4096xf32, #tpu.memory_space<hbm>>
        %dma_wait3A_57 = tpu.memref_squeeze %dma_wait3A_56 : memref<1x4096xf32, #tpu.memory_space<hbm>> -> memref<4096xf32, #tpu.memory_space<hbm>>
        %dma_wait3A_58 = arith.constant 0 : i32
        %dma_wait3A_59 = tpu.memref_slice %arg6[%add3A_14, %dma_wait3A_58] : memref<832x4096xf32, #tpu.memory_space<hbm>> -> memref<1x4096xf32, #tpu.memory_space<hbm>>
        %dma_wait3A_60 = tpu.memref_squeeze %dma_wait3A_59 : memref<1x4096xf32, #tpu.memory_space<hbm>> -> memref<4096xf32, #tpu.memory_space<hbm>>
        tpu.wait_dma2 semaphore(%run_scoped3A : memref<!tpu.dma_semaphore, #tpu.memory_space<semaphore_mem>>) src(%arg10 : memref<4096xf32, #tpu.memory_space<vmem>>) dst(%dma_wait3A_60 : memref<4096xf32, #tpu.memory_space<hbm>>)
        tpu.yield
      }) : () -> ()
    }
    %scan3A_4 = arith.constant 26 : i32
    %lt3A = arith.constant 26 : i32
    %lt3A_5 = arith.cmpi slt, %add3A, %lt3A : i32
    %convert_element_type3A = arith.extui %lt3A_5 : i1 to i32
    %cond3A = arith.constant 0 : i32
    %cond3A_6 = arith.cmpi ne, %convert_element_type3A, %cond3A : i32
    scf.if %cond3A_6 {
      "tpu.region"() ({
        %run_scoped3A_12 = tpu.sem_alloc : memref<!tpu.dma_semaphore, #tpu.memory_space<semaphore_mem>>
        %dma_start3A = arith.constant 0 : i32
        %dma_start3A_13 = tpu.memref_slice %arg5[%add3A, %dma_start3A] : memref<26x4096xi32, #tpu.memory_space<hbm>> -> memref<1x4096xi32, #tpu.memory_space<hbm>>
        %dma_start3A_14 = tpu.memref_squeeze %dma_start3A_13 : memref<1x4096xi32, #tpu.memory_space<hbm>> -> memref<4096xi32, #tpu.memory_space<hbm>>
        %dma_start3A_15 = arith.constant 0 : i32
        %dma_start3A_16 = tpu.memref_slice %arg5[%add3A, %dma_start3A_15] : memref<26x4096xi32, #tpu.memory_space<hbm>> -> memref<1x4096xi32, #tpu.memory_space<hbm>>
        %dma_start3A_17 = tpu.memref_squeeze %dma_start3A_16 : memref<1x4096xi32, #tpu.memory_space<hbm>> -> memref<4096xi32, #tpu.memory_space<hbm>>
        tpu.enqueue_dma source(%dma_start3A_17 : memref<4096xi32, #tpu.memory_space<hbm>>) target(%arg9 : memref<4096xi32, #tpu.memory_space<vmem>>) target_semaphore(%run_scoped3A_12 : memref<!tpu.dma_semaphore, #tpu.memory_space<semaphore_mem>>)
        %dma_wait3A = arith.constant 0 : i32
        %dma_wait3A_18 = tpu.memref_slice %arg5[%add3A, %dma_wait3A] : memref<26x4096xi32, #tpu.memory_space<hbm>> -> memref<1x4096xi32, #tpu.memory_space<hbm>>
        %dma_wait3A_19 = tpu.memref_squeeze %dma_wait3A_18 : memref<1x4096xi32, #tpu.memory_space<hbm>> -> memref<4096xi32, #tpu.memory_space<hbm>>
        %dma_wait3A_20 = arith.constant 0 : i32
        %dma_wait3A_21 = tpu.memref_slice %arg5[%add3A, %dma_wait3A_20] : memref<26x4096xi32, #tpu.memory_space<hbm>> -> memref<1x4096xi32, #tpu.memory_space<hbm>>
        %dma_wait3A_22 = tpu.memref_squeeze %dma_wait3A_21 : memref<1x4096xi32, #tpu.memory_space<hbm>> -> memref<4096xi32, #tpu.memory_space<hbm>>
        tpu.wait_dma2 semaphore(%run_scoped3A_12 : memref<!tpu.dma_semaphore, #tpu.memory_space<semaphore_mem>>) src(%dma_wait3A_22 : memref<4096xi32, #tpu.memory_space<hbm>>) dst(%arg9 : memref<4096xi32, #tpu.memory_space<vmem>>)
        tpu.yield
      }) : () -> ()
      %run_scoped3A = arith.constant 0 : i32
      "tpu.region"() ({
        %run_scoped3A_12 = tpu.sem_alloc : memref<!tpu.dma_semaphore, #tpu.memory_space<semaphore_mem>>
        %dma_start3A = arith.constant 0 : i32
        %dma_start3A_13 = tpu.memref_slice %arg4[%add3A, %run_scoped3A, %dma_start3A] : memref<26x1x100000xf32, #tpu.memory_space<hbm>> -> memref<1x1x100000xf32, #tpu.memory_space<hbm>>
        %dma_start3A_14 = tpu.memref_squeeze %dma_start3A_13 : memref<1x1x100000xf32, #tpu.memory_space<hbm>> -> memref<100000xf32, #tpu.memory_space<hbm>>
        %dma_start3A_15 = arith.constant 0 : i32
        %dma_start3A_16 = tpu.memref_slice %arg4[%add3A, %run_scoped3A, %dma_start3A_15] : memref<26x1x100000xf32, #tpu.memory_space<hbm>> -> memref<1x1x100000xf32, #tpu.memory_space<hbm>>
        %dma_start3A_17 = tpu.memref_squeeze %dma_start3A_16 : memref<1x1x100000xf32, #tpu.memory_space<hbm>> -> memref<100000xf32, #tpu.memory_space<hbm>>
        tpu.enqueue_dma source(%dma_start3A_17 : memref<100000xf32, #tpu.memory_space<hbm>>) target(%arg8 : memref<100000xf32, #tpu.memory_space<vmem>>) target_semaphore(%run_scoped3A_12 : memref<!tpu.dma_semaphore, #tpu.memory_space<semaphore_mem>>)
        %dma_wait3A = arith.constant 0 : i32
        %dma_wait3A_18 = tpu.memref_slice %arg4[%add3A, %run_scoped3A, %dma_wait3A] : memref<26x1x100000xf32, #tpu.memory_space<hbm>> -> memref<1x1x100000xf32, #tpu.memory_space<hbm>>
        %dma_wait3A_19 = tpu.memref_squeeze %dma_wait3A_18 : memref<1x1x100000xf32, #tpu.memory_space<hbm>> -> memref<100000xf32, #tpu.memory_space<hbm>>
        %dma_wait3A_20 = arith.constant 0 : i32
        %dma_wait3A_21 = tpu.memref_slice %arg4[%add3A, %run_scoped3A, %dma_wait3A_20] : memref<26x1x100000xf32, #tpu.memory_space<hbm>> -> memref<1x1x100000xf32, #tpu.memory_space<hbm>>
        %dma_wait3A_22 = tpu.memref_squeeze %dma_wait3A_21 : memref<1x1x100000xf32, #tpu.memory_space<hbm>> -> memref<100000xf32, #tpu.memory_space<hbm>>
        tpu.wait_dma2 semaphore(%run_scoped3A_12 : memref<!tpu.dma_semaphore, #tpu.memory_space<semaphore_mem>>) src(%dma_wait3A_22 : memref<100000xf32, #tpu.memory_space<hbm>>) dst(%arg8 : memref<100000xf32, #tpu.memory_space<vmem>>)
        tpu.yield
      }) : () -> ()
      %scan3A_7 = arith.constant 0 : i32
      %scan3A_8 = arith.constant 64 : i32
      %scan3A_9 = arith.addi %scan3A_7, %scan3A_8 : i32
      %scan3A_10 = arith.constant 1 : i32
      scf.for %scan3A_12 = %scan3A_7 to %scan3A_9 step %scan3A_10  : i32 {
        %mul3A_13 = arith.constant 4 : i32
        %mul3A_14 = arith.muli %scan3A_12, %mul3A_13 : i32
        %add3A_15 = arith.constant 0 : i32
        %add3A_16 = arith.addi %add3A_15, %mul3A_14 : i32
        %add3A_17 = arith.constant 0 : i32
        %add3A_18 = arith.addi %add3A_16, %add3A_17 : i32
        %mul3A_19 = arith.constant 16 : i32
        %mul3A_20 = arith.muli %add3A_18, %mul3A_19 : i32
        %get3A = arith.index_cast %mul3A_20 : i32 to index
        %get3A_21 = tpu.vector_load %arg9[%get3A] {strides = array<i32>} : memref<4096xi32, #tpu.memory_space<vmem>>, vector<16xi32>,
        %gather3A = tpu.vector_load_idx %arg8[%get3A_21] : memref<100000xf32, #tpu.memory_space<vmem>>[vector<16xi32>], vector<16xf32>,
        %swap3A = arith.index_cast %mul3A_20 : i32 to index
        %swap3A_22 = tpu.vector_load %arg10[%swap3A] {strides = array<i32>} : memref<4096xf32, #tpu.memory_space<vmem>>, vector<16xf32>,
        tpu.vector_store %arg10[%swap3A], %gather3A {strides = array<i32>} : memref<4096xf32, #tpu.memory_space<vmem>>, vector<16xf32>,
        %add3A_23 = arith.constant 1 : i32
        %add3A_24 = arith.addi %add3A_16, %add3A_23 : i32
        %mul3A_25 = arith.constant 16 : i32
        %mul3A_26 = arith.muli %add3A_24, %mul3A_25 : i32
        %get3A_27 = arith.index_cast %mul3A_26 : i32 to index
        %get3A_28 = tpu.vector_load %arg9[%get3A_27] {strides = array<i32>} : memref<4096xi32, #tpu.memory_space<vmem>>, vector<16xi32>,
        %gather3A_29 = tpu.vector_load_idx %arg8[%get3A_28] : memref<100000xf32, #tpu.memory_space<vmem>>[vector<16xi32>], vector<16xf32>,
        %swap3A_30 = arith.index_cast %mul3A_26 : i32 to index
        %swap3A_31 = tpu.vector_load %arg10[%swap3A_30] {strides = array<i32>} : memref<4096xf32, #tpu.memory_space<vmem>>, vector<16xf32>,
        tpu.vector_store %arg10[%swap3A_30], %gather3A_29 {strides = array<i32>} : memref<4096xf32, #tpu.memory_space<vmem>>, vector<16xf32>,
        %add3A_32 = arith.constant 2 : i32
        %add3A_33 = arith.addi %add3A_16, %add3A_32 : i32
        %mul3A_34 = arith.constant 16 : i32
        %mul3A_35 = arith.muli %add3A_33, %mul3A_34 : i32
        %get3A_36 = arith.index_cast %mul3A_35 : i32 to index
        %get3A_37 = tpu.vector_load %arg9[%get3A_36] {strides = array<i32>} : memref<4096xi32, #tpu.memory_space<vmem>>, vector<16xi32>,
        %gather3A_38 = tpu.vector_load_idx %arg8[%get3A_37] : memref<100000xf32, #tpu.memory_space<vmem>>[vector<16xi32>], vector<16xf32>,
        %swap3A_39 = arith.index_cast %mul3A_35 : i32 to index
        %swap3A_40 = tpu.vector_load %arg10[%swap3A_39] {strides = array<i32>} : memref<4096xf32, #tpu.memory_space<vmem>>, vector<16xf32>,
        tpu.vector_store %arg10[%swap3A_39], %gather3A_38 {strides = array<i32>} : memref<4096xf32, #tpu.memory_space<vmem>>, vector<16xf32>,
        %add3A_41 = arith.constant 3 : i32
        %add3A_42 = arith.addi %add3A_16, %add3A_41 : i32
        %mul3A_43 = arith.constant 16 : i32
        %mul3A_44 = arith.muli %add3A_42, %mul3A_43 : i32
        %get3A_45 = arith.index_cast %mul3A_44 : i32 to index
        %get3A_46 = tpu.vector_load %arg9[%get3A_45] {strides = array<i32>} : memref<4096xi32, #tpu.memory_space<vmem>>, vector<16xi32>,
        %gather3A_47 = tpu.vector_load_idx %arg8[%get3A_46] : memref<100000xf32, #tpu.memory_space<vmem>>[vector<16xi32>], vector<16xf32>,
        %swap3A_48 = arith.index_cast %mul3A_44 : i32 to index
        %swap3A_49 = tpu.vector_load %arg10[%swap3A_48] {strides = array<i32>} : memref<4096xf32, #tpu.memory_space<vmem>>, vector<16xf32>,
        tpu.vector_store %arg10[%swap3A_48], %gather3A_47 {strides = array<i32>} : memref<4096xf32, #tpu.memory_space<vmem>>, vector<16xf32>,
      }
      %scan3A_11 = arith.constant 64 : i32
      "tpu.region"() ({
        %run_scoped3A_12 = tpu.sem_alloc : memref<!tpu.dma_semaphore, #tpu.memory_space<semaphore_mem>>
        %dma_start3A = arith.constant 0 : i32
        %dma_start3A_13 = tpu.memref_slice %arg7[%add3A, %dma_start3A] : memref<26x4096xf32, #tpu.memory_space<hbm>> -> memref<1x4096xf32, #tpu.memory_space<hbm>>
        %dma_start3A_14 = tpu.memref_squeeze %dma_start3A_13 : memref<1x4096xf32, #tpu.memory_space<hbm>> -> memref<4096xf32, #tpu.memory_space<hbm>>
        %dma_start3A_15 = arith.constant 0 : i32
        %dma_start3A_16 = tpu.memref_slice %arg7[%add3A, %dma_start3A_15] : memref<26x4096xf32, #tpu.memory_space<hbm>> -> memref<1x4096xf32, #tpu.memory_space<hbm>>
        %dma_start3A_17 = tpu.memref_squeeze %dma_start3A_16 : memref<1x4096xf32, #tpu.memory_space<hbm>> -> memref<4096xf32, #tpu.memory_space<hbm>>
        tpu.enqueue_dma source(%arg10 : memref<4096xf32, #tpu.memory_space<vmem>>) target(%dma_start3A_17 : memref<4096xf32, #tpu.memory_space<hbm>>) target_semaphore(%run_scoped3A_12 : memref<!tpu.dma_semaphore, #tpu.memory_space<semaphore_mem>>)
        %dma_wait3A = arith.constant 0 : i32
        %dma_wait3A_18 = tpu.memref_slice %arg7[%add3A, %dma_wait3A] : memref<26x4096xf32, #tpu.memory_space<hbm>> -> memref<1x4096xf32, #tpu.memory_space<hbm>>
        %dma_wait3A_19 = tpu.memref_squeeze %dma_wait3A_18 : memref<1x4096xf32, #tpu.memory_space<hbm>> -> memref<4096xf32, #tpu.memory_space<hbm>>
        %dma_wait3A_20 = arith.constant 0 : i32
        %dma_wait3A_21 = tpu.memref_slice %arg7[%add3A, %dma_wait3A_20] : memref<26x4096xf32, #tpu.memory_space<hbm>> -> memref<1x4096xf32, #tpu.memory_space<hbm>>
        %dma_wait3A_22 = tpu.memref_squeeze %dma_wait3A_21 : memref<1x4096xf32, #tpu.memory_space<hbm>> -> memref<4096xf32, #tpu.memory_space<hbm>>
        tpu.wait_dma2 semaphore(%run_scoped3A_12 : memref<!tpu.dma_semaphore, #tpu.memory_space<semaphore_mem>>) src(%arg10 : memref<4096xf32, #tpu.memory_space<vmem>>) dst(%dma_wait3A_22 : memref<4096xf32, #tpu.memory_space<hbm>>)
        tpu.yield
      }) : () -> ()
    } else {
    }
    return
  }
}

module attributes {stable_mosaic.version = 14 : i64} {
  func.func @_mlp_body(%arg0: i32, %arg1: memref<512x13xf32, #tpu.memory_space<vmem>>, %arg2: memref<832x512xf32, #tpu.memory_space<vmem>>, %arg3: memref<512x13xf32, #tpu.memory_space<vmem>>, %arg4: memref<26x512xf32, #tpu.memory_space<vmem>>, %arg5: memref<13x1024xf32, #tpu.memory_space<vmem>>, %arg6: memref<832x1024xf32, #tpu.memory_space<vmem>>, %arg7: memref<1x1024xf32, #tpu.memory_space<vmem>>, %arg8: memref<1024x512xf32, #tpu.memory_space<vmem>>, %arg9: memref<1x512xf32, #tpu.memory_space<vmem>>, %arg10: memref<512x256xf32, #tpu.memory_space<vmem>>, %arg11: memref<1x256xf32, #tpu.memory_space<vmem>>, %arg12: memref<256x1xf32, #tpu.memory_space<vmem>>, %arg13: memref<1x1xf32, #tpu.memory_space<vmem>>, %arg14: memref<13x1xf32, #tpu.memory_space<vmem>>, %arg15: memref<1x1xf32, #tpu.memory_space<vmem>>, %arg16: memref<1x512xf32, #tpu.memory_space<vmem>>) attributes {dimension_semantics = [#tpu.dimension_semantics<arbitrary>], iteration_bounds = array<i64: 8>, scalar_prefetch = 0 : i64, scratch_operands = 0 : i64, tpu.core_type = #tpu.core_type<tc>, window_params = [{transform_indices = @transform_0, window_bounds = array<i64: 512, 13>}, {transform_indices = @transform_1, window_bounds = array<i64: 832, 512>}, {transform_indices = @transform_2, window_bounds = array<i64: 512, 13>}, {transform_indices = @transform_3, window_bounds = array<i64: 26, 512>}, {pipeline_mode = #tpu.pipeline_mode<synchronous>, transform_indices = @transform_4, window_bounds = array<i64: 13, 1024>}, {pipeline_mode = #tpu.pipeline_mode<synchronous>, transform_indices = @transform_5, window_bounds = array<i64: 832, 1024>}, {pipeline_mode = #tpu.pipeline_mode<synchronous>, transform_indices = @transform_6, window_bounds = array<i64: 1, 1024>}, {pipeline_mode = #tpu.pipeline_mode<synchronous>, transform_indices = @transform_7, window_bounds = array<i64: 1024, 512>}, {pipeline_mode = #tpu.pipeline_mode<synchronous>, transform_indices = @transform_8, window_bounds = array<i64: 1, 512>}, {pipeline_mode = #tpu.pipeline_mode<synchronous>, transform_indices = @transform_9, window_bounds = array<i64: 512, 256>}, {pipeline_mode = #tpu.pipeline_mode<synchronous>, transform_indices = @transform_10, window_bounds = array<i64: 1, 256>}, {pipeline_mode = #tpu.pipeline_mode<synchronous>, transform_indices = @transform_11, window_bounds = array<i64: 256, 1>}, {pipeline_mode = #tpu.pipeline_mode<synchronous>, transform_indices = @transform_12, window_bounds = array<i64: 1, 1>}, {pipeline_mode = #tpu.pipeline_mode<synchronous>, transform_indices = @transform_13, window_bounds = array<i64: 13, 1>}, {pipeline_mode = #tpu.pipeline_mode<synchronous>, transform_indices = @transform_14, window_bounds = array<i64: 1, 1>}, {transform_indices = @transform_15, window_bounds = array<i64: 1, 512>}]} {
    %get3A = arith.constant 0 : index
    %get3A_0 = arith.constant 0 : index
    %get3A_1 = vector.load %arg1[%get3A, %get3A_0] : memref<512x13xf32, #tpu.memory_space<vmem>>, vector<512x13xf32>
    %get3A_2 = arith.constant 0 : index
    %get3A_3 = arith.constant 0 : index
    %get3A_4 = vector.load %arg5[%get3A_2, %get3A_3] : memref<13x1024xf32, #tpu.memory_space<vmem>>, vector<13x1024xf32>
    %dot_general3A = arith.constant dense<0.000000e+00> : vector<512x1024xf32>
    %dot_general3A_5 = tpu.matmul %get3A_1, %get3A_4, %dot_general3A {dimension_numbers = #tpu.dot_dimension_numbers<[1], [0], [0], [1], [0, 0, 1, 1], [], []>, transpose_lhs_hint = false} : vector<512x13xf32>, vector<13x1024xf32>, vector<512x1024xf32> -> vector<512x1024xf32>
    %get3A_6 = arith.constant 0 : index
    %get3A_7 = arith.constant 0 : index
    %get3A_8 = vector.load %arg2[%get3A_6, %get3A_7] : memref<832x512xf32, #tpu.memory_space<vmem>>, vector<832x512xf32>
    %convert_element_type3A = arith.truncf %get3A_8 : vector<832x512xf32> to vector<832x512xbf16>
    %get3A_9 = arith.constant 0 : index
    %get3A_10 = arith.constant 0 : index
    %get3A_11 = vector.load %arg6[%get3A_9, %get3A_10] : memref<832x1024xf32, #tpu.memory_space<vmem>>, vector<832x1024xf32>
    %convert_element_type3A_12 = arith.truncf %get3A_11 : vector<832x1024xf32> to vector<832x1024xbf16>
    %dot_general3A_13 = arith.constant dense<0.000000e+00> : vector<512x1024xf32>
    %dot_general3A_14 = tpu.matmul %convert_element_type3A, %convert_element_type3A_12, %dot_general3A_13 {dimension_numbers = #tpu.dot_dimension_numbers<[0], [0], [1], [1], [0, 1, 1, 1], [], []>, transpose_lhs_hint = false} : vector<832x512xbf16>, vector<832x1024xbf16>, vector<512x1024xf32> -> vector<512x1024xf32>
    %add3A = arith.addf %dot_general3A_5, %dot_general3A_14 : vector<512x1024xf32>
    %get3A_15 = arith.constant 0 : index
    %get3A_16 = arith.constant 0 : index
    %get3A_17 = vector.load %arg7[%get3A_15, %get3A_16] : memref<1x1024xf32, #tpu.memory_space<vmem>>, vector<1x1024xf32>
    %add3A_18 = vector.broadcast %get3A_17 : vector<1x1024xf32> to vector<512x1024xf32>
    %add3A_19 = arith.addf %add3A, %add3A_18 : vector<512x1024xf32>
    %max3A = arith.constant 0.000000e+00 : f32
    %max3A_20 = vector.broadcast %max3A : f32 to vector<512x1024xf32>
    %max3A_21 = arith.maximumf %add3A_19, %max3A_20 : vector<512x1024xf32>
    %convert_element_type3A_22 = arith.truncf %max3A_21 : vector<512x1024xf32> to vector<512x1024xbf16>
    %get3A_23 = arith.constant 0 : index
    %get3A_24 = arith.constant 0 : index
    %get3A_25 = vector.load %arg8[%get3A_23, %get3A_24] : memref<1024x512xf32, #tpu.memory_space<vmem>>, vector<1024x512xf32>
    %convert_element_type3A_26 = arith.truncf %get3A_25 : vector<1024x512xf32> to vector<1024x512xbf16>
    %dot_general3A_27 = arith.constant dense<0.000000e+00> : vector<512x512xf32>
    %dot_general3A_28 = tpu.matmul %convert_element_type3A_22, %convert_element_type3A_26, %dot_general3A_27 {dimension_numbers = #tpu.dot_dimension_numbers<[1], [0], [0], [1], [0, 0, 1, 1], [], []>, transpose_lhs_hint = false} : vector<512x1024xbf16>, vector<1024x512xbf16>, vector<512x512xf32> -> vector<512x512xf32>
    %get3A_29 = arith.constant 0 : index
    %get3A_30 = arith.constant 0 : index
    %get3A_31 = vector.load %arg9[%get3A_29, %get3A_30] : memref<1x512xf32, #tpu.memory_space<vmem>>, vector<1x512xf32>
    %add3A_32 = vector.broadcast %get3A_31 : vector<1x512xf32> to vector<512x512xf32>
    %add3A_33 = arith.addf %dot_general3A_28, %add3A_32 : vector<512x512xf32>
    %max3A_34 = arith.constant 0.000000e+00 : f32
    %max3A_35 = vector.broadcast %max3A_34 : f32 to vector<512x512xf32>
    %max3A_36 = arith.maximumf %add3A_33, %max3A_35 : vector<512x512xf32>
    %convert_element_type3A_37 = arith.truncf %max3A_36 : vector<512x512xf32> to vector<512x512xbf16>
    %get3A_38 = arith.constant 0 : index
    %get3A_39 = arith.constant 0 : index
    %get3A_40 = vector.load %arg10[%get3A_38, %get3A_39] : memref<512x256xf32, #tpu.memory_space<vmem>>, vector<512x256xf32>
    %convert_element_type3A_41 = arith.truncf %get3A_40 : vector<512x256xf32> to vector<512x256xbf16>
    %dot_general3A_42 = arith.constant dense<0.000000e+00> : vector<512x256xf32>
    %dot_general3A_43 = tpu.matmul %convert_element_type3A_37, %convert_element_type3A_41, %dot_general3A_42 {dimension_numbers = #tpu.dot_dimension_numbers<[1], [0], [0], [1], [0, 0, 1, 1], [], []>, transpose_lhs_hint = false} : vector<512x512xbf16>, vector<512x256xbf16>, vector<512x256xf32> -> vector<512x256xf32>
    %get3A_44 = arith.constant 0 : index
    %get3A_45 = arith.constant 0 : index
    %get3A_46 = vector.load %arg11[%get3A_44, %get3A_45] : memref<1x256xf32, #tpu.memory_space<vmem>>, vector<1x256xf32>
    %add3A_47 = vector.broadcast %get3A_46 : vector<1x256xf32> to vector<512x256xf32>
    %add3A_48 = arith.addf %dot_general3A_43, %add3A_47 : vector<512x256xf32>
    %max3A_49 = arith.constant 0.000000e+00 : f32
    %max3A_50 = vector.broadcast %max3A_49 : f32 to vector<512x256xf32>
    %max3A_51 = arith.maximumf %add3A_48, %max3A_50 : vector<512x256xf32>
    %get3A_52 = arith.constant 0 : index
    %get3A_53 = arith.constant 0 : index
    %get3A_54 = vector.load %arg12[%get3A_52, %get3A_53] : memref<256x1xf32, #tpu.memory_space<vmem>>, vector<256x1xf32>
    %dot_general3A_55 = arith.constant dense<0.000000e+00> : vector<1x512xf32>
    %dot_general3A_56 = tpu.matmul %get3A_54, %max3A_51, %dot_general3A_55 {dimension_numbers = #tpu.dot_dimension_numbers<[0], [1], [1], [0], [0, 1, 1, 0], [], []>, transpose_lhs_hint = false} : vector<256x1xf32>, vector<512x256xf32>, vector<1x512xf32> -> vector<1x512xf32>
    %get3A_57 = arith.constant 0 : index
    %get3A_58 = arith.constant 0 : index
    %get3A_59 = vector.load %arg14[%get3A_57, %get3A_58] : memref<13x1xf32, #tpu.memory_space<vmem>>, vector<13x1xf32>
    %get3A_60 = arith.constant 0 : index
    %get3A_61 = arith.constant 0 : index
    %get3A_62 = vector.load %arg3[%get3A_60, %get3A_61] : memref<512x13xf32, #tpu.memory_space<vmem>>, vector<512x13xf32>
    %dot_general3A_63 = arith.constant dense<0.000000e+00> : vector<1x512xf32>
    %dot_general3A_64 = tpu.matmul %get3A_59, %get3A_62, %dot_general3A_63 {dimension_numbers = #tpu.dot_dimension_numbers<[0], [1], [1], [0], [0, 1, 1, 0], [], []>, transpose_lhs_hint = false} : vector<13x1xf32>, vector<512x13xf32>, vector<1x512xf32> -> vector<1x512xf32>
    %get3A_65 = arith.constant 0 : index
    %get3A_66 = arith.constant 0 : index
    %get3A_67 = vector.load %arg4[%get3A_65, %get3A_66] : memref<26x512xf32, #tpu.memory_space<vmem>>, vector<26x512xf32>
    %reduce_sum3A = arith.constant dense<0.000000e+00> : vector<512xf32>
    %reduce_sum3A_68 = vector.multi_reduction <add>, %get3A_67, %reduce_sum3A [0] : vector<26x512xf32> to vector<512xf32>
    %broadcast_in_dim3A = vector.shape_cast %reduce_sum3A_68 : vector<512xf32> to vector<1x512xf32>
    %get3A_69 = arith.constant 0 : index
    %get3A_70 = arith.constant 0 : index
    %get3A_71 = vector.load %arg13[%get3A_69, %get3A_70] : memref<1x1xf32, #tpu.memory_space<vmem>>, vector<1x1xf32>
    %add3A_72 = vector.broadcast %get3A_71 : vector<1x1xf32> to vector<1x512xf32>
    %add3A_73 = arith.addf %dot_general3A_56, %add3A_72 : vector<1x512xf32>
    %add3A_74 = arith.addf %add3A_73, %dot_general3A_64 : vector<1x512xf32>
    %get3A_75 = arith.constant 0 : index
    %get3A_76 = arith.constant 0 : index
    %get3A_77 = vector.load %arg15[%get3A_75, %get3A_76] : memref<1x1xf32, #tpu.memory_space<vmem>>, vector<1x1xf32>
    %add3A_78 = vector.broadcast %get3A_77 : vector<1x1xf32> to vector<1x512xf32>
    %add3A_79 = arith.addf %add3A_74, %add3A_78 : vector<1x512xf32>
    %add3A_80 = arith.addf %add3A_79, %broadcast_in_dim3A : vector<1x512xf32>
    %logistic3A = arith.negf %add3A_80 : vector<1x512xf32>
    %logistic3A_81 = math.exp %logistic3A : vector<1x512xf32>
    %logistic3A_82 = arith.constant 1.000000e+00 : f32
    %logistic3A_83 = vector.broadcast %logistic3A_82 : f32 to vector<1x512xf32>
    %logistic3A_84 = arith.addf %logistic3A_83, %logistic3A_81 : vector<1x512xf32>
    %logistic3A_85 = arith.divf %logistic3A_83, %logistic3A_84 : vector<1x512xf32>
    %swap3A = arith.constant 0 : index
    %swap3A_86 = arith.constant 0 : index
    %swap3A_87 = vector.load %arg16[%swap3A, %swap3A_86] : memref<1x512xf32, #tpu.memory_space<vmem>>, vector<1x512xf32>
    tpu.vector_store %arg16[%swap3A, %swap3A_86], %logistic3A_85 {strides = array<i32>} : memref<1x512xf32, #tpu.memory_space<vmem>>, vector<1x512xf32>,
    return
  }
  func.func @transform_0(%arg0: i32) -> (i32, i32) {
    %c0_i32 = arith.constant 0 : i32
    %c0_i32_0 = arith.constant 0 : i32
    return %arg0, %c0_i32 : i32, i32
  }
  func.func @transform_1(%arg0: i32) -> (i32, i32) {
    %c0_i32 = arith.constant 0 : i32
    %c0_i32_0 = arith.constant 0 : i32
    return %c0_i32, %arg0 : i32, i32
  }
  func.func @transform_2(%arg0: i32) -> (i32, i32) {
    %c0_i32 = arith.constant 0 : i32
    %c0_i32_0 = arith.constant 0 : i32
    return %arg0, %c0_i32 : i32, i32
  }
  func.func @transform_3(%arg0: i32) -> (i32, i32) {
    %c0_i32 = arith.constant 0 : i32
    %c0_i32_0 = arith.constant 0 : i32
    return %c0_i32, %arg0 : i32, i32
  }
  func.func @transform_4(%arg0: i32) -> (i32, i32) {
    %c0_i32 = arith.constant 0 : i32
    %c0_i32_0 = arith.constant 0 : i32
    %c0_i32_1 = arith.constant 0 : i32
    return %c0_i32, %c0_i32_0 : i32, i32
  }
  func.func @transform_5(%arg0: i32) -> (i32, i32) {
    %c0_i32 = arith.constant 0 : i32
    %c0_i32_0 = arith.constant 0 : i32
    %c0_i32_1 = arith.constant 0 : i32
    return %c0_i32, %c0_i32_0 : i32, i32
  }
  func.func @transform_6(%arg0: i32) -> (i32, i32) {
    %c0_i32 = arith.constant 0 : i32
    %c0_i32_0 = arith.constant 0 : i32
    %c0_i32_1 = arith.constant 0 : i32
    return %c0_i32, %c0_i32_0 : i32, i32
  }
  func.func @transform_7(%arg0: i32) -> (i32, i32) {
    %c0_i32 = arith.constant 0 : i32
    %c0_i32_0 = arith.constant 0 : i32
    %c0_i32_1 = arith.constant 0 : i32
    return %c0_i32, %c0_i32_0 : i32, i32
  }
  func.func @transform_8(%arg0: i32) -> (i32, i32) {
    %c0_i32 = arith.constant 0 : i32
    %c0_i32_0 = arith.constant 0 : i32
    %c0_i32_1 = arith.constant 0 : i32
    return %c0_i32, %c0_i32_0 : i32, i32
  }
  func.func @transform_9(%arg0: i32) -> (i32, i32) {
    %c0_i32 = arith.constant 0 : i32
    %c0_i32_0 = arith.constant 0 : i32
    %c0_i32_1 = arith.constant 0 : i32
    return %c0_i32, %c0_i32_0 : i32, i32
  }
  func.func @transform_10(%arg0: i32) -> (i32, i32) {
    %c0_i32 = arith.constant 0 : i32
    %c0_i32_0 = arith.constant 0 : i32
    %c0_i32_1 = arith.constant 0 : i32
    return %c0_i32, %c0_i32_0 : i32, i32
  }
  func.func @transform_11(%arg0: i32) -> (i32, i32) {
    %c0_i32 = arith.constant 0 : i32
    %c0_i32_0 = arith.constant 0 : i32
    %c0_i32_1 = arith.constant 0 : i32
    return %c0_i32, %c0_i32_0 : i32, i32
  }
  func.func @transform_12(%arg0: i32) -> (i32, i32) {
    %c0_i32 = arith.constant 0 : i32
    %c0_i32_0 = arith.constant 0 : i32
    %c0_i32_1 = arith.constant 0 : i32
    return %c0_i32, %c0_i32_0 : i32, i32
  }
  func.func @transform_13(%arg0: i32) -> (i32, i32) {
    %c0_i32 = arith.constant 0 : i32
    %c0_i32_0 = arith.constant 0 : i32
    %c0_i32_1 = arith.constant 0 : i32
    return %c0_i32, %c0_i32_0 : i32, i32
  }
  func.func @transform_14(%arg0: i32) -> (i32, i32) {
    %c0_i32 = arith.constant 0 : i32
    %c0_i32_0 = arith.constant 0 : i32
    %c0_i32_1 = arith.constant 0 : i32
    return %c0_i32, %c0_i32_0 : i32, i32
  }
  func.func @transform_15(%arg0: i32) -> (i32, i32) {
    %c0_i32 = arith.constant 0 : i32
    %c0_i32_0 = arith.constant 0 : i32
    return %c0_i32, %arg0 : i32, i32
  }
}

</mosaic_0001>

<sc_bundles>
// kernel: kernel.4.cloned.1.call-start
scs
__scs_entry_jumppad:
0x0: {  	(pc) =	sbr.rel $0x88, $3  }
0x1: {  	(tag) =	ssettag $0x0;
	lr =	simm.s32 $0x1  }
0x2: {  	[smem:$0x3F91] =	sst lr;
	_ =	strace $0xD0000000  }
0x3: {  	_ = 	snop  }
0x4: {  	_ = 	snop  }
0x5: {  	_ = 	snop  }
0x6: {  	_ = 	snop  }
0x7: {  	_ = 	snop  }
__scs_overlays_trampoline_lowered:
0x8: {  	[smem:$0x3FA0] =	sst s0  }
0x9: {  	[smem:$0x3FA1] =	sst s1  }
0xa: {  	[smem:$0x3FA2] =	sst s2  }
0xb: {  	[smem:$0x3FA3] =	sst s3  }
0xc: {  	[smem:$0x3FA4] =	sst s4  }
0xd: {  	[smem:$0x3FA5] =	sst s5  }
0xe: {  	[smem:$0x3FA6] =	sst s6  }
0xf: {  	[smem:$0x3FA7] =	sst s7  }
0x10: {  	[smem:$0x3FA8] =	sst s8  }
0x11: {  	[smem:$0x3FA9] =	sst s9;
	s0 =	simm.s32 @!p0 $0x0  }
0x12: {  	s1 =	sld [smem:$0x3F8F];
	s0 =	simm.s32 @p0 $0x1  }
0x13: {  	[smem:$0x3FAA] =	sst s0;
	s0 =	simm.s32 @!p1 $0x0  }
0x14: {  	s2 =	sld [smem:$0x3F8E];
	s0 =	simm.s32 @p1 $0x1  }
0x15: {  	[smem:$0x3FAB] =	sst s0;
	s0 =	simm.s32 @!p2 $0x0  }
0x16: {  	s3 =	sld [smem:$0x3FDB];
	s0 =	simm.s32 @p2 $0x1  }
0x17: {  	s4 =	simm.s32 $0x1BF5;
	[smem:$0x3FAD] =	sst s0  }
0x18: {  	s0 =	sld [smem:$0x3F90];
	_ =	swait.ge [sflag:s4], $0x0  }
0x19: {  	s7 =	sld [smem:$0x3F91]  }
0x1a: {  	s8 =	sadd.s32 $0xFFFFE003, lr  }
0x1b: {  	s9 =	sadd.s32 $0xFFFFFEF7, lr;
	s5 =	simm.s32 $0xFFFFFFFF;
	p2 =	slt.u32 s8, $0xFFFFF086  }
0x1c: {  	p1 =	slt.u32 s9, $0xF7A;
	s5 =	simm.s32 @!p2 $0x0  }
0x1d: {  	s5 =	simm.s32 @p1 $0x1;
	p0 =	seq.s32 s7, s2  }
0x1e: {  	s7 =	smul.u32 @!p0 $0xF7A, s2;
	p2 =	seq.s32 @!p0 s5, $0x0  }
0x1f: {  	s9 =	smul.u32 $0xF7A, s1;
	s8 =	simm.s32 @!p0 $0x1BF5;
	p2 =	por !p2, p0  }
0x20: {  	[sflag:s8] =	ssyncset.s32 @!p0 $0xFFFFF086;
	s6 =	sadd.s32 @!p0 s3, s7;
	s7 =	simm.s32 @!p0 $0x108  }
0x21: {  	s3 =	sadd.s32 s3, s9;
	s6 =	sadd.s32 @!p0 $0x88, s6;
	s7 =	simm.s32 @p2 $0x1082  }
0x22: {  	[simem:s7], [sflag:s8] =	dma.local @!p0 [hbm:s6], $0xF7A  }
0x23: {  	s9 =	sor.u32 $0xD0000000, s2;
	s6 =	simm.s32 $0x108;
	_ =	swait.ge @!p0 [sflag:s8], $0x0  }
0x24: {  	s3 =	sadd.s32 $0x88, s3;
	s6 =	simm.s32 @!p1 $0x1082;
	[sflag:s4] =	ssyncset.s32 $0xFFFFF086  }
0x25: {  	[simem:s6], [sflag:s4] =	dma.local [hbm:s3], $0xF7A  }
0x26: {  	[smem:$0x3F91] =	sst s1;
	(tag) =	ssettag s2;
	_ =	strace s9  }
0x27: {  	s1 =	sld [smem:$0x3FA1]  }
0x28: {  	s2 =	sld [smem:$0x3FA2]  }
0x29: {  	s4 =	sld [smem:$0x3FA4]  }
0x2a: {  	p0 =	seq.s32 s5, $0x0;
	s5 =	sld [smem:$0x3FA5]  }
0x2b: {  	s6 =	sld [smem:$0x3FA6]  }
0x2c: {  	s7 =	sld [smem:$0x3FA7]  }
0x2d: {  	s3 =	simm.s32 $0x108;
	s8 =	sld [smem:$0x3FA8]  }
0x2e: {  	s3 =	simm.s32 @!p0 $0x1082;
	s9 =	sld [smem:$0x3FA9]  }
0x2f: {  	lr =	sadd.s32 s0, s3;
	s0 =	sld [smem:$0x3FA0]  }
0x30: {  	s3 =	sld [smem:$0x3FA3]  }
0x31: {  	[smem:$0x3FAC] =	sst s10  }
0x32: {  	s10 =	sld [smem:$0x3FAA];
	_ =	sdelay $0x3  }
0x33: {  	p0 =	seq.s32 s10, $0x1;
	s10 =	sld [smem:$0x3FAC];
	_ =	sdelay $0x3  }
0x34: {  	[smem:$0x3FAC] =	sst s10  }
0x35: {  	s10 =	sld [smem:$0x3FAB];
	_ =	sdelay $0x3  }
0x36: {  	p1 =	seq.s32 s10, $0x1;
	s10 =	sld [smem:$0x3FAC];
	_ =	sdelay $0x3  }
0x37: {  	[smem:$0x3FAC] =	sst s10  }
0x38: {  	s10 =	sld [smem:$0x3FAD]  }
0x39: {  	_ = 	snop;
	(pc) =	sbr.ind lr, $3  }
0x3a: {  	_ = 	snop  }
0x3b: {  	_ = 	snop  }
0x3c: {  	p2 =	seq.s32 s10, $0x1;
	s10 =	sld [smem:$0x3FAC]  }
0x3d: {  	_ =	shalt  }
0x3e: {  	_ =	shalt  }
0x3f: {  	_ =	shalt  }
0x40: {  	_ =	shalt  }
0x41: {  	_ =	shalt  }
0x42: {  	_ =	shalt  }
0x43: {  	_ =	shalt  }
0x44: {  	_ =	shalt  }
0x45: {  	_ =	shalt  }
0x46: {  	_ =	shalt  }
0x47: {  	_ =	shalt  }
0x48: {  	_ =	shalt  }
0x49: {  	_ =	shalt  }
0x4a: {  	_ =	shalt  }
0x4b: {  	_ =	shalt  }
0x4c: {  	_ =	shalt  }
0x4d: {  	_ =	shalt  }
0x4e: {  	_ =	shalt  }
0x4f: {  	_ =	shalt  }
0x50: {  	_ =	shalt  }
0x51: {  	_ =	shalt  }
0x52: {  	_ =	shalt  }
0x53: {  	_ =	shalt  }
0x54: {  	_ =	shalt  }
0x55: {  	_ =	shalt  }
0x56: {  	_ =	shalt  }
0x57: {  	_ =	shalt  }
0x58: {  	_ =	shalt  }
0x59: {  	_ =	shalt  }
0x5a: {  	_ =	shalt  }
0x5b: {  	_ =	shalt  }
0x5c: {  	_ =	shalt  }
0x5d: {  	_ =	shalt  }
0x5e: {  	_ =	shalt  }
0x5f: {  	_ =	shalt  }
0x60: {  	_ =	shalt  }
0x61: {  	_ =	shalt  }
0x62: {  	_ =	shalt  }
0x63: {  	_ =	shalt  }
0x64: {  	_ =	shalt  }
0x65: {  	_ =	shalt  }
0x66: {  	_ =	shalt  }
0x67: {  	_ =	shalt  }
0x68: {  	_ =	shalt  }
0x69: {  	_ =	shalt  }
0x6a: {  	_ =	shalt  }
0x6b: {  	_ =	shalt  }
0x6c: {  	_ =	shalt  }
0x6d: {  	_ =	shalt  }
0x6e: {  	_ =	shalt  }
0x6f: {  	_ =	shalt  }
0x70: {  	_ =	shalt  }
0x71: {  	_ =	shalt  }
0x72: {  	_ =	shalt  }
0x73: {  	_ =	shalt  }
0x74: {  	_ =	shalt  }
0x75: {  	_ =	shalt  }
0x76: {  	_ =	shalt  }
0x77: {  	_ =	shalt  }
0x78: {  	_ =	shalt  }
0x79: {  	_ =	shalt  }
0x7a: {  	_ =	shalt  }
0x7b: {  	_ =	shalt  }
0x7c: {  	_ =	shalt  }
0x7d: {  	_ =	shalt  }
0x7e: {  	_ =	shalt  }
0x7f: {  	_ =	shalt  }
0x80: {  	_ =	shalt  }
0x81: {  	_ =	shalt  }
0x82: {  	_ =	shalt  }
0x83: {  	_ =	shalt  }
0x84: {  	_ =	shalt  }
0x85: {  	_ =	shalt  }
0x86: {  	_ =	shalt  }
0x87: {  	_ =	shalt  }
.Lfunc_end0:
.L_simem_size_0:
called_computation_lowered:
.L_overlay_start_0:
0x88: {  	s2 =	sld [smem:$0x3FD9]  }
0x89: {  	s3 =	sld [smem:$0x3FFE];
	_ =	sdelay $0x1  }
0x8a: {  	s1 =	srdreg.scid  }
0x8b: {  	s0 =	sand.u32 $0x1, s1  }
0x8c: {  	s17 =	sshll.u32 s0, $0xA;
	s2 =	sadd.s32 s3, s2  }
0x8d: {  	s2 =	sadd.s32 s2, s17  }
0x8e: {  	[smem:$0x3FB8] =	sst s2  }
0x8f: {  	_ = 	snop  }
0x90: {  	s2 =	sld [smem:$0x3FC8]  }
0x91: {  	s18 =	sld [smem:$0x3FC6]  }
0x92: {  	s4 =	sld [smem:$0x3FC5]  }
0x93: {  	s5 =	sld [smem:$0x3FC4];
	(tm) =	ssettm $0x1  }
0x94: {  	s6 =	sld [smem:$0x3FFB];
	_ =	sdelay $0x3  }
0x95: {  	_ =	strace s6  }
0x96: {  	s6 =	sld [smem:$0x3FFC];
	_ =	sdelay $0x3  }
0x97: {  	_ =	strace s6  }
0x98: {  	s6 =	sld [smem:$0x3FFD];
	_ =	sdelay $0x3  }
0x99: {  	_ =	strace s6  }
0x9a: {  	_ =	strace $0x8FFFFFFF  }
0x9b: {  	s19 =	sld [smem:$0x3FDB];
	_ =	sdelay $0x1  }
0x9c: {  	s7 =	simm.s32 $_scs_section_size  }
0x9d: {  	s8 =	simm.s32 $_size__tile_overlayer_lowered;
	s9 =	simm.s32 $_tile_overlayer_lowered  }
0x9e: {  	s22 =	simm.s32 $0x1BFF;
	s21 =	sshll.u32 s9, $0x1;
	s6 =	sadd.s32 s7, s19  }
0x9f: {  	s10 =	simm.s32 $0x0;
	s20 =	sshll.u32 s8, $0x1;
	s8 =	sadd.s32 s21, s6  }
0xa0: {  	[timem:s10], [sflag:s22] =	dma.local [hbm:s8], s20  }
0xa1: {  	_ =	swait.ge [sflag:s22], s20  }
0xa2: {  	s7 =	ssub.s32 $0x0, s20;
	[sflag:s22] =	ssyncset.done $0x0  }
0xa3: {  	[sflag:s22] =	ssyncadd.s32 s7;
	_ =	sdelay $0x1  }
0xa4: {  	s23 =	simm.s32 $0x1B8B  }
0xa5: {  	_ =	swait.ge [sflag:s23], $0x1  }
0xa6: {  	[sflag:s23] =	ssyncset.done $0x0  }
0xa7: {  	s25 =	simm.s32 $0x1B8E;
	s24 =	sld [smem:$0x3FFE];
	[sflag:s23] =	ssyncadd.s32 $0xFFFFFFFF  }
0xa8: {  	s26 =	simm.s32 $execute0_lowered;
	[smem:$0x3FD2] =	sst s25  }
0xa9: {  	s8 =	sshll.u32 s26, $0x1;
	_ =	strace $0x80000046;
	[dreg:$0x1] =	wrdreg $0xFFFFFFFF  }
0xaa: {  	s28 =	simm.s32 $_size_execute0_lowered;
	s6 =	sadd.s32 s6, s8;
	[dreg:$0x0] =	wrdreg $0x0  }
0xab: {  	s8 =	sshll.u32 s28, $0x1;
	[dreg:$0x2] =	wrdreg s6  }
0xac: {  	[dreg:$0x3] =	wrdreg s8  }
0xad: {  	[dreg:$0x4] =	wrdreg $0xC0  }
0xae: {  	_ =	task [dreg:s10], $0x5FFFF  }
0xaf: {  	[dreg:$0x1] =	wrdreg $0xFFFFFFFF  }
0xb0: {  	[dreg:$0x0] =	wrdreg $0x60  }
0xb1: {  	[dreg:$0x2] =	wrdreg s5  }
0xb2: {  	[dreg:$0x3] =	wrdreg s18  }
0xb3: {  	[dreg:$0x4] =	wrdreg s4  }
0xb4: {  	[dreg:$0x5] =	wrdreg s2  }
0xb5: {  	[dreg:$0x6] =	wrdreg s24  }
0xb6: {  	[dreg:$0x7] =	wrdreg $0x9  }
0xb7: {  	_ =	task.clear_ibuf [dreg:s10], $0x8FFFF;
	_ =	strace $0x90000046  }
0xb8: {  	s29 =	simm.s32 $0x9;
	_ =	strace $0x80000048  }
0xb9: {  	_ =	swait.ge [sflag:s29], $0x1  }
0xba: {  	[sflag:s29] =	ssyncadd.s32 $0xFFFFFFFF  }
0xbb: {  	_ =	strace $0x90000048  }
0xbc: {  	_ =	sfence  }
0xbd: {  	s30 =	sld [smem:$0x0];
	_ =	sdelay $0x2  }
0xbe: {  	s31 =	sshll.u32 s1, $0xD;
	s1 =	sshrl.u32 s1, $0x2  }
0xbf: {  	s3 =	sand.u32 $0x4000, s31;
	s1 =	sadd.s32 s1, s30  }
0xc0: {  	s0 =	sor.u32 s3, s0;
	s1 =	sshll.u32 s1, $0x11  }
0xc1: {  	s0 =	sor.u32 s1, s0  }
0xc2: {  	s0 =	sadd.s32 $0x8F2B, s0  }
0xc3: {  	[sflag:s0] =	ssyncadd.remote.s32 $0x1  }
0xc4: {  	_ =	sfence.sel $0xFFFF  }
0xc5: {  	[dreg:$0x0] =	wrdreg $0xFFFFFFFF;
	(pc) =	sbr.abs _section_cstart, $3  }
0xc6: {  	[dreg:$0x1] =	wrdreg $0xFFFFFFFF  }
0xc7: {  	_ =	task.clear_ibuf [dreg:s10], $0x2FFFF;
	_ =	strace $0x9FFFFFFF  }
0xc8: {  	(tm) =	ssettm $0x7FFFFFFF  }
0xc9: {  	_ =	shalt  }
tec
execute0_lowered:
.L_overlay_start_1:
0x0: {  	(tag) =	ssettag $0x1  }
0x1: {  	s0 =	rddreg [dreg:$0x0]  }
0x2: {  	s2 =	rddreg [dreg:$0x1]  }
0x3: {  	s8 =	rddreg [dreg:$0x2]  }
0x4: {  	s7 =	rddreg [dreg:$0x3];
	s3 =	srdreg.scid  }
0x5: {  	s1 =	stileid.u32;
	s6 =	rddreg [dreg:$0x4]  }
0x6: {  	s4 =	simm.s32 $0x0;
	s15 =	simm.s32 $0x19700;
	s16 =	simm.s32 $0x0  }
0x7: {  	s5 =	sand.u32 $0x1, s3;
	s9 =	sshll.u32 s1, $0x1;
	s3 =	rddreg [dreg:$0x5]  }
0x8: {  	[smem:$0x7FF] =	sst s4;
	s10 =	sshll.u32 s1, $0xA;
	p0 =	sgt.u32 s1, $0xC  }
0x9: {  	s9 =	sor.u32 s5, s9;
	_ =	strace $0x80000047;
	s31 =	ssub.s32 $0x2, s5  }
0xa: {  	s5 =	sadd.s32 $0x5E00, s6;
	s11 =	sshll.u32 s9, $0x4;
	s13 =	smul.u32 $0x30E0, s9  }
.Ltmp0:
0xb: {  	s12 =	sshrl.u32 s31, $0x1;
	s10 =	sor.u32 s10, s11;
	(pc) =	sbr.rel .LBB2_1-.Ltmp0, $4  }
0xc: {  	s11 =	ssub.s32 s31, s12;
	s12 =	simm.s32 $0x400;
	s10 =	sand.u32 $0x3070, s10  }
0xd: {  	s8 =	sadd.s32 s8, s13;
	s13 =	simm.s32 $0x18700;
	s14 =	sadd.s32 s10, s6  }
0xe: {  	s6 =	smul.u32 $0x1A, s9;
	s7 =	sadd.s32 s7, s10;
	s10 =	smax.u32 s11, $0x1  }
0xf: {  	s11 =	simm.s32 $0x80;
	s9 =	sadd.s32 $0x1E00, s14;
	s14 =	simm.s32 $0x1  }
.LBB2_9:
0x10: {  	s16 =	sadd.s32 $0x1, s16  }
0x11: {  	p1 =	sne.s32 s16, s10  }
.Ltmp1:
0x12: {  	_ = 	snop;
	(pc) =	sbr.rel @!p1 .LBB2_10-.Ltmp1, $1  }
0x13: {  	_ =	sdelay $0x3  }
.LBB2_1:
0x14: {  	s17 =	simm.s32 $0x0  }
.LBB2_2:
0x15: {  	s18 =	sadd.s32 s6, s17  }
0x16: {  	s20 =	sshrl.u32 s18, $0x1  }
0x17: {  	s19 =	sshll.u32 s18, $0x4;
	s20 =	sand.u32 $0x70, s20  }
0x18: {  	s21 =	sand.u32 $0xFFFF000, s19;
	s20 =	sadd.s32 s2, s20  }
0x19: {  	s28 =	sshrl.u32 s18, $0x5;
	s29 =	sshrl.u32 s18, $0x3;
	s20 =	sadd.s32 s21, s20  }
0x1a: {  	[tilespmem:s13], [sflag:$0x1] =	stream.strided.gather [hbm4b:s20+s11], $0x1000, s12, s11, $0x38;
	[tilespmem:$0x1A700] =	vst v63  }
0x1b: {  	s21 =	sand.u32 $0x3, s29;
	s20 =	smul.u32 $0x30E000, s28  }
0x1c: {  	s21 =	smul.u32 $0xC3800, s21  }
0x1d: {  	s22 =	sshll.u32 s18, $0x7  }
0x1e: {  	s30 =	sand.u32 $0x380, s22;
	s20 =	sadd.s32 s20, s21  }
0x1f: {  	_ =	swait.ge [sflag:s14], $0x1000;
	s20 =	sor.u32 s30, s20  }
0x20: {  	[sflag:s14] =	ssyncset.done $0x0;
	s20 =	sshrl.u32 s20, $0x3  }
0x21: {  	s31 =	simm.s32 $0x0;
	[sflag:s14] =	ssyncadd.s32 $0xFFFFF000;
	s20 =	sadd.s32 s0, s20  }
0x22: {  	[tilespmem:s31], [sflag:$0x1] =	stream.strided.gather [hbm4b:s20+s11], $0x18700, s12, s11, $0x38;
	[tilespmem:$0x1A700] =	vst v63  }
0x23: {  	_ =	swait.ge [sflag:s14], $0x18700  }
0x24: {  	[sflag:s14] =	ssyncset.done $0x0  }
0x25: {  	s20 =	simm.s32 $0x0;
	[sflag:s14] =	ssyncadd.s32 $0xFFFE7900  }
0x26: {  	v0 =	vld [tilespmem:s20+$0x18700];
	_ =	sdelay $0x5  }
0x27: {  	v1 =	vld [tilespmem:s20+$0x18710];
	_ =	sdelay $0x1  }
0x28: {  	v0 =	vld.idx.msk [tilespmem:v0+s4+$0x0], $0xffff;
	_ =	sdelay $0x4  }
0x29: {  	v2 =	vld [tilespmem:s20+$0x18720];
	[tilespmem:s20+$0x19700] =	vst v0  }
0x2a: {  	v0 =	vld.idx.msk [tilespmem:v1+s4+$0x0], $0xffff;
	_ =	sdelay $0x4  }
0x2b: {  	[tilespmem:s20+$0x19710] =	vst v0;
	v0 =	vld [tilespmem:s20+$0x18730];
	_ =	sdelay $0x1  }
0x2c: {  	v1 =	vld.idx.msk [tilespmem:v2+s4+$0x0], $0xffff;
	_ =	sdelay $0x3  }
0x2d: {  	s22 =	simm.s32 $0x40;
	s21 =	simm.s32 $0x200  }
.LBB2_3:
0x2e: {  	p1 =	sne.s32 s21, $0x3F00;
	v2 =	vld [tilespmem:s22+$0x18700];
	[tilespmem:s20+$0x19720] =	vst v1  }
0x2f: {  	v0 =	vld.idx.msk [tilespmem:v0+s4+$0x0], $0xffff;
	_ =	sdelay $0x5  }
0x30: {  	v1 =	vld [tilespmem:s22+$0x18710];
	[tilespmem:s20+$0x19730] =	vst v0;
	s20 =	smov.u32 s22  }
0x31: {  	v0 =	vld.idx.msk [tilespmem:v2+s4+$0x0], $0xffff;
	_ =	sdelay $0x5  }
0x32: {  	[tilespmem:s20+$0x19700] =	vst v0;
	v2 =	vld [tilespmem:s20+$0x18720]  }
0x33: {  	v0 =	vld.idx.msk [tilespmem:v1+s4+$0x0], $0xffff;
	_ =	sdelay $0x5  }
0x34: {  	[tilespmem:s20+$0x19710] =	vst v0;
	v0 =	vld [tilespmem:s20+$0x18730]  }
0x35: {  	v1 =	vld.idx.msk [tilespmem:v2+s4+$0x0], $0xffff  }
.Ltmp2:
0x36: {  	(pc) =	sbr.rel @p1 .LBB2_3-.Ltmp2, $2  }
0x37: {  	_ =	sdelay $0x2  }
0x38: {  	s22 =	sshra.s32 s21, $0x2;
	s21 =	sadd.s32 $0x100, s21  }
0x39: {  	_ =	sdelay $0x1  }
0x3a: {  	v2 =	vld [tilespmem:s22+$0x18700]  }
0x3b: {  	[tilespmem:s20+$0x19720] =	vst v1  }
0x3c: {  	v0 =	vld.idx.msk [tilespmem:v0+s4+$0x0], $0xffff;
	_ =	sdelay $0x3  }
0x3d: {  	v1 =	vld [tilespmem:s22+$0x18710]  }
0x3e: {  	[tilespmem:s20+$0x19730] =	vst v0  }
0x3f: {  	v0 =	vld.idx.msk [tilespmem:v2+s4+$0x0], $0xffff;
	_ =	sdelay $0x3  }
0x40: {  	v62 =	vld [tilespmem:s22+$0x18720]  }
0x41: {  	[tilespmem:s22+$0x19700] =	vst v0  }
0x42: {  	v1 =	vld.idx.msk [tilespmem:v1+s4+$0x0], $0xffff;
	_ =	sdelay $0x3  }
0x43: {  	v63 =	vld [tilespmem:s22+$0x18730]  }
0x44: {  	[tilespmem:s22+$0x19710] =	vst v1  }
0x45: {  	v0 =	vld.idx.msk [tilespmem:v62+s4+$0x0], $0xffff;
	_ =	sdelay $0x4  }
0x46: {  	[tilespmem:s22+$0x19720] =	vst v0  }
0x47: {  	v0 =	vld.idx.msk [tilespmem:v63+s4+$0x0], $0xffff;
	_ =	sdelay $0x2  }
0x48: {  	s18 =	sshll.u32 s18, $0x9;
	s19 =	sand.u32 $0x70, s19;
	s17 =	sadd.s32 $0x1, s17  }
0x49: {  	s18 =	sand.u32 $0xFFFF000, s18;
	s19 =	sadd.s32 s5, s19;
	p1 =	sne.s32 s17, $0x1A  }
.Ltmp3:
0x4a: {  	s18 =	sadd.s32 s18, s19;
	[tilespmem:s22+$0x19730] =	vst v0;
	(pc) =	sbr.rel @p1 .LBB2_2-.Ltmp3, $4  }
0x4b: {  	[hbm4b:s18+s11] =	stream.strided.scatter [tilespmem:s15], [sflag:$0x1], $0x1000, s12, s11, $0x38;
	[tilespmem:$0x1A700] =	vst v63  }
0x4c: {  	_ =	swait.ge [sflag:s14], $0x1000  }
0x4d: {  	[sflag:s14] =	ssyncset.done $0x0  }
0x4e: {  	[sflag:s14] =	ssyncadd.s32 $0xFFFFF000  }
.Ltmp4:
0x4f: {  	(pc) =	sbr.rel @p0 .LBB2_9-.Ltmp4, $1  }
0x50: {  	_ =	sdelay $0x3  }
0x51: {  	[tilespmem:s13], [sflag:$0x1] =	stream.strided.gather [hbm4b:s7+s11], $0x1000, s12, s11, $0x38;
	[tilespmem:$0x1A700] =	vst v63  }
0x52: {  	_ =	swait.ge [sflag:s14], $0x1000  }
0x53: {  	[sflag:s14] =	ssyncset.done $0x0  }
0x54: {  	s17 =	simm.s32 $0x0;
	[sflag:s14] =	ssyncadd.s32 $0xFFFFF000  }
0x55: {  	[tilespmem:s17], [sflag:$0x1] =	stream.linear.gather [hbm4b:s8+s17], $0x18700, $0x38;
	[tilespmem:$0x1A700] =	vst v63  }
0x56: {  	_ =	swait.ge [sflag:s14], $0x18700  }
0x57: {  	[sflag:s14] =	ssyncset.done $0x0  }
0x58: {  	s17 =	simm.s32 $0x0;
	[sflag:s14] =	ssyncadd.s32 $0xFFFE7900  }
0x59: {  	v0 =	vld [tilespmem:s17+$0x18700];
	_ =	sdelay $0x5  }
0x5a: {  	v1 =	vld [tilespmem:s17+$0x18710];
	_ =	sdelay $0x1  }
0x5b: {  	v0 =	vld.idx.msk [tilespmem:v0+s4+$0x0], $0xffff;
	_ =	sdelay $0x4  }
0x5c: {  	v2 =	vld [tilespmem:s17+$0x18720];
	[tilespmem:s17+$0x19700] =	vst v0  }
0x5d: {  	v0 =	vld.idx.msk [tilespmem:v1+s4+$0x0], $0xffff;
	_ =	sdelay $0x4  }
0x5e: {  	[tilespmem:s17+$0x19710] =	vst v0;
	v0 =	vld [tilespmem:s17+$0x18730];
	_ =	sdelay $0x1  }
0x5f: {  	v1 =	vld.idx.msk [tilespmem:v2+s4+$0x0], $0xffff;
	_ =	sdelay $0x3  }
0x60: {  	s19 =	simm.s32 $0x40;
	s18 =	simm.s32 $0x200  }
.LBB2_7:
0x61: {  	p1 =	sne.s32 s18, $0x3F00;
	v2 =	vld [tilespmem:s19+$0x18700];
	[tilespmem:s17+$0x19720] =	vst v1  }
0x62: {  	v0 =	vld.idx.msk [tilespmem:v0+s4+$0x0], $0xffff;
	_ =	sdelay $0x5  }
0x63: {  	v1 =	vld [tilespmem:s19+$0x18710];
	[tilespmem:s17+$0x19730] =	vst v0;
	s17 =	smov.u32 s19  }
0x64: {  	v0 =	vld.idx.msk [tilespmem:v2+s4+$0x0], $0xffff;
	_ =	sdelay $0x5  }
0x65: {  	[tilespmem:s17+$0x19700] =	vst v0;
	v2 =	vld [tilespmem:s17+$0x18720]  }
0x66: {  	v0 =	vld.idx.msk [tilespmem:v1+s4+$0x0], $0xffff;
	_ =	sdelay $0x5  }
0x67: {  	[tilespmem:s17+$0x19710] =	vst v0;
	v0 =	vld [tilespmem:s17+$0x18730]  }
0x68: {  	v1 =	vld.idx.msk [tilespmem:v2+s4+$0x0], $0xffff  }
.Ltmp5:
0x69: {  	(pc) =	sbr.rel @p1 .LBB2_7-.Ltmp5, $2  }
0x6a: {  	_ =	sdelay $0x2  }
0x6b: {  	s19 =	sshra.s32 s18, $0x2;
	s18 =	sadd.s32 $0x100, s18  }
0x6c: {  	_ =	sdelay $0x1  }
0x6d: {  	v2 =	vld [tilespmem:s19+$0x18700]  }
0x6e: {  	[tilespmem:s17+$0x19720] =	vst v1  }
0x6f: {  	v0 =	vld.idx.msk [tilespmem:v0+s4+$0x0], $0xffff;
	_ =	sdelay $0x3  }
0x70: {  	v1 =	vld [tilespmem:s19+$0x18710]  }
0x71: {  	[tilespmem:s17+$0x19730] =	vst v0  }
0x72: {  	v0 =	vld.idx.msk [tilespmem:v2+s4+$0x0], $0xffff;
	_ =	sdelay $0x3  }
0x73: {  	v62 =	vld [tilespmem:s19+$0x18720]  }
0x74: {  	[tilespmem:s19+$0x19700] =	vst v0  }
0x75: {  	v1 =	vld.idx.msk [tilespmem:v1+s4+$0x0], $0xffff;
	_ =	sdelay $0x3  }
0x76: {  	v63 =	vld [tilespmem:s19+$0x18730]  }
0x77: {  	[tilespmem:s19+$0x19710] =	vst v1  }
0x78: {  	v0 =	vld.idx.msk [tilespmem:v62+s4+$0x0], $0xffff;
	_ =	sdelay $0x4  }
0x79: {  	[tilespmem:s19+$0x19720] =	vst v0  }
0x7a: {  	v0 =	vld.idx.msk [tilespmem:v63+s4+$0x0], $0xffff;
	_ =	sdelay $0x4  }
.Ltmp6:
0x7b: {  	[tilespmem:s19+$0x19730] =	vst v0;
	(pc) =	sbr.rel .LBB2_9-.Ltmp6, $4  }
0x7c: {  	[hbm4b:s9+s11] =	stream.strided.scatter [tilespmem:s15], [sflag:$0x1], $0x1000, s12, s11, $0x38;
	[tilespmem:$0x1A700] =	vst v63  }
0x7d: {  	_ =	swait.ge [sflag:s14], $0x1000  }
0x7e: {  	[sflag:s14] =	ssyncset.done $0x0  }
0x7f: {  	[sflag:s14] =	ssyncadd.s32 $0xFFFFF000  }
.LBB2_10:
0x80: {  	_ =	sfence.sel $0x180000  }
0x81: {  	[bflag:$0x0] =	sbarrier.arrive $0xFFFF  }
0x82: {  	p0 =	sne.s32 s1, $0x0;
	_ =	strace $0x90000047  }
0x83: {  	s0 =	sadd.s32 @!p0 $0x100000, s3;
	[bflag:$0x2] =	sbarrier.arrive $0xFFFF  }
0x84: {  	[sflag:s0] =	ssyncadd.tile.s32 @!p0 $0x1;
	_ =	shalt  }
.Lfunc_end2:
_tile_overlayer_lowered:
.L_overlay_start_2:
0x85: {  	(tag) =	ssettag $0x2  }
0x86: {  	s0 =	rddreg [dreg:$0x0];
	s2 =	stileid.u32  }
0x87: {  	s1 =	rddreg [dreg:$0x1];
	p0 =	sne.s32 s2, $0x0  }
0x88: {  	s3 =	rddreg [dreg:$0x2];
	[bflag:$0x3] =	sbarrier.arrive $0xFFFF;
	s2 =	simm.s32 @!p0 $0x1C01  }
0x89: {  	[timem:s3], [sflag:s2] =	dma.local @!p0 [hbm:s0], s1  }
0x8a: {  	s0 =	simm.s32 @!p0 $0x1  }
0x8b: {  	_ =	swait.ge @!p0 [sflag:s0], s1  }
0x8c: {  	s1 =	ssub.s32 @!p0 $0x0, s1;
	[sflag:s0] =	ssyncset.done @!p0 $0x0  }
0x8d: {  	[sflag:s0] =	ssyncadd.s32 @!p0 s1  }
0x8e: {  	[bflag:$0x3] =	sbarrier.arrive $0xFFFF  }
0x8f: {  	_ =	shalt  }

</sc_bundles>
